<compile_context>
chip_gen: v7x
topology: tpu7x:2x2x1
jax: 0.10.2.dev20260603
libtpu: 0.0.44.dev20260713+nightly
codegen_flags: <defaults>
</compile_context>

<pallas_src>
import functools
import math

import jax
import jax.numpy as jnp
import numpy as np
from jax import lax
from jax.experimental import pallas as pl
from jax.experimental.pallas import tpu as pltpu
from jax.experimental.pallas import tpu_sc as plsc

VOCAB = 32000
D = 2048
SEQ = 2048
BATCH = 4
L = 16
NC = 2
NS = 16
NW = NC * NS
POS_PER_W = SEQ // NW
CHUNK = 16
NCHUNK = POS_PER_W // CHUNK
SCALE = math.sqrt(float(D))
NVJ = D // L


def _make_pe_np():
    position = np.arange(0, SEQ).astype(np.float32)[:, None]
    div_term = np.exp(
        np.arange(0, D, 2).astype(np.float32) * (-math.log(10000.0) / D)
    )
    pe = np.zeros((SEQ, D), dtype=np.float32)
    pe[:, 0::2] = np.sin(position * div_term)
    pe[:, 1::2] = np.cos(position * div_term)
    return pe


def _rsqrt16(v):
    i = lax.bitcast_convert_type(v, jnp.int32)
    i = jnp.int32(0x5F3759DF) - lax.shift_right_logical(i, 1)
    y = lax.bitcast_convert_type(i, jnp.float32)
    for _ in range(3):
        y = y * (1.5 - 0.5 * v * y * y)
    return y


_mesh = plsc.VectorSubcoreMesh(core_axis_name="c", subcore_axis_name="s")


@functools.partial(
    pl.kernel,
    out_type=jax.ShapeDtypeStruct((BATCH, SEQ, D), jnp.float32),
    mesh=_mesh,
    compiler_params=pltpu.CompilerParams(needs_layout_passes=False),
    scratch_types=[
        pltpu.VMEM((CHUNK,), jnp.int32),
        pltpu.VMEM((CHUNK,), jnp.int32),
        pltpu.VMEM((CHUNK, D), jnp.float32),
        pltpu.VMEM((CHUNK, D), jnp.float32),
        pltpu.VMEM((D,), jnp.float32),
        pltpu.VMEM((D,), jnp.float32),
        pltpu.SemaphoreType.DMA,
    ],
)
def _sc_encoder(ids, mask, table, gamma, beta, pe, out,
                idx_v, mask_v, rows_v, pe_v, g_v, b_v, sem):
    wid = lax.axis_index("s") * NC + lax.axis_index("c")
    s0 = wid * POS_PER_W

    pltpu.sync_copy(gamma, g_v)
    pltpu.sync_copy(beta, b_v)
    lanes = lax.iota(jnp.int32, L)

    def token_body(t, _):
        mf = mask_v[...].astype(jnp.float32)
        m = jnp.sum(jnp.where(lanes == t, mf, 0.0))
        m_splat = jnp.full((L,), m, jnp.float32)

        def p1(j, carry):
            s1, s2 = carry
            r = rows_v[t, pl.ds(j * L, L)]
            p = pe_v[t, pl.ds(j * L, L)]
            x = (r * SCALE + p) * m_splat
            rows_v[t, pl.ds(j * L, L)] = x
            return (s1 + x, s2 + x * x)

        z = jnp.zeros((L,), jnp.float32)
        s1, s2 = lax.fori_loop(0, NVJ, p1, (z, z))
        mean = jnp.sum(s1) * (1.0 / D)
        ex2 = jnp.sum(s2) * (1.0 / D)
        var = ex2 - mean * mean
        inv = _rsqrt16(jnp.full((L,), var + 1e-5, jnp.float32))
        mean_splat = jnp.full((L,), mean, jnp.float32)

        def p2(j, carry):
            x = rows_v[t, pl.ds(j * L, L)]
            g = g_v[pl.ds(j * L, L)]
            bb = b_v[pl.ds(j * L, L)]
            rows_v[t, pl.ds(j * L, L)] = (x - mean_splat) * inv * g + bb
            return carry

        lax.fori_loop(0, NVJ, p2, 0)
        return _

    def c_body(c, _):
        off = s0 + c * CHUNK
        pltpu.sync_copy(pe.at[pl.ds(off, CHUNK), :], pe_v)

        def b_body(b, carry):
            pltpu.sync_copy(ids.at[b, pl.ds(off, CHUNK)], idx_v)
            pltpu.sync_copy(mask.at[b, pl.ds(off, CHUNK)], mask_v)
            pltpu.async_copy(table.at[idx_v], rows_v, sem).wait()
            lax.fori_loop(0, CHUNK, token_body, 0)
            pltpu.sync_copy(rows_v, out.at[b, pl.ds(off, CHUNK), :])
            return carry

        lax.fori_loop(0, BATCH, b_body, 0)
        return _

    lax.fori_loop(0, NCHUNK, c_body, 0)


def kernel(input_ids, attention_mask, table, gamma, beta):
    pe = jnp.asarray(_make_pe_np())
    return _sc_encoder(input_ids, attention_mask, table, gamma, beta, pe)

# --- scband reference (transcript-rebuilt; emitter-appended) ---
"""Pipeline reference for scband-spetext-encoder-68075231642093 (READ-ONLY COPY).

The authoritative reference and input builder live on the scoring server;
editing this copy changes nothing except your own understanding.
"""

import jax, jax.numpy as jnp
import numpy as np
import math

VOCAB = 32000
D_MODEL = 2048
MAX_LEN = 2048
BATCH = 4
SEQ = 2048

def make_pe(max_len, d_model):
    position = np.arange(0, max_len).astype(np.float32)[:, None]
    div_term = np.exp(np.arange(0, d_model, 2).astype(np.float32) * (-math.log(10000.0) / d_model))
    pe = np.zeros((max_len, d_model), dtype=np.float32)
    pe[:, 0::2] = np.sin(position * div_term)
    pe[:, 1::2] = np.cos(position * div_term)
    return jnp.asarray(pe)

def setup_inputs(seed: int = 0) -> dict:
    key = jax.random.key(seed)
    k1, k2 = jax.random.split(key)
    input_ids = jax.random.randint(k1, (BATCH, SEQ), 0, VOCAB, dtype=jnp.int32)
    attention_mask = jnp.ones((BATCH, SEQ), dtype=jnp.int32)
    # learned parameters
    table = jax.random.normal(k2, (VOCAB, D_MODEL), dtype=jnp.float32) * 0.02
    gamma = jnp.ones((D_MODEL,), dtype=jnp.float32)
    beta = jnp.zeros((D_MODEL,), dtype=jnp.float32)
    return {"input_ids": input_ids, "attention_mask": attention_mask, "table": table, "gamma": gamma, "beta": beta}

def reference(input_ids, attention_mask, table, gamma, beta):
    pe = make_pe(MAX_LEN, D_MODEL)
    scale = math.sqrt(float(D_MODEL))
    # embedding lookup (gather)
    x = jnp.take(table, input_ids, axis=0) * scale
    # sinusoidal positional encoding
    x = x + pe[None, :x.shape[1], :]
    # attention mask
    x = x * attention_mask[..., None].astype(jnp.float32)
    # layer norm (biased variance, eps=1e-5, matching torch nn.LayerNorm)
    mean = jnp.mean(x, axis=-1, keepdims=True)
    var = jnp.mean((x - mean) ** 2, axis=-1, keepdims=True)
    x = (x - mean) / jnp.sqrt(var + 1e-5) * gamma + beta
    # dropout is identity in eval mode
    return x

if __name__ == "__main__":
    import jax
    _d = setup_inputs()
    print(jax.jit(kernel)(*tuple(_d.values())))

</pallas_src>

<mosaic_0001>
#map = affine_map<(d0, d1) -> (0, 0)>
#map1 = affine_map<(d0, d1) -> (0)>
#map2 = affine_map<(d0, d1) -> (0, 0, 0)>
module attributes {stable_mosaic.version = 14 : i64} {
  func.func @_sc_encoder(%arg0: i32, %arg1: i32, %arg2: memref<4x2048xi32, #tpu.memory_space<hbm>>, %arg3: memref<4x2048xi32, #tpu.memory_space<hbm>>, %arg4: memref<32000x2048xf32, #tpu.memory_space<hbm>>, %arg5: memref<2048xf32, #tpu.memory_space<hbm>>, %arg6: memref<2048xf32, #tpu.memory_space<hbm>>, %arg7: memref<2048x2048xf32, #tpu.memory_space<hbm>>, %arg8: memref<4x2048x2048xf32, #tpu.memory_space<hbm>>, %arg9: memref<16xi32, #tpu.memory_space<vmem>>, %arg10: memref<16xi32, #tpu.memory_space<vmem>>, %arg11: memref<16x2048xf32, #tpu.memory_space<vmem>>, %arg12: memref<16x2048xf32, #tpu.memory_space<vmem>>, %arg13: memref<2048xf32, #tpu.memory_space<vmem>>, %arg14: memref<2048xf32, #tpu.memory_space<vmem>>, %arg15: memref<!tpu.dma_semaphore, #tpu.memory_space<semaphore_mem>>) attributes {dimension_semantics = [#tpu.dimension_semantics<core_parallel>, #tpu.dimension_semantics<subcore_parallel>], iteration_bounds = array<i64: 2, 16>, scalar_prefetch = 0 : i64, scratch_operands = 7 : i64, tpu.core_type = #tpu.core_type<sc_vector_subcore>, window_params = [{transform_indices = #map}, {transform_indices = #map}, {transform_indices = #map}, {transform_indices = #map1}, {transform_indices = #map1}, {transform_indices = #map}, {transform_indices = #map2}]} {
    %mul3A = arith.constant 2 : i32
    %mul3A_0 = arith.muli %arg1, %mul3A : i32
    %add3A = arith.addi %mul3A_0, %arg0 : i32
    %mul3A_1 = arith.constant 64 : i32
    %mul3A_2 = arith.muli %add3A, %mul3A_1 : i32
    "tpu.region"() ({
      %run_scoped3A = tpu.sem_alloc : memref<!tpu.dma_semaphore, #tpu.memory_space<semaphore_mem>>
      tpu.enqueue_dma source(%arg5 : memref<2048xf32, #tpu.memory_space<hbm>>) target(%arg13 : memref<2048xf32, #tpu.memory_space<vmem>>) target_semaphore(%run_scoped3A : memref<!tpu.dma_semaphore, #tpu.memory_space<semaphore_mem>>)
      tpu.wait_dma2 semaphore(%run_scoped3A : memref<!tpu.dma_semaphore, #tpu.memory_space<semaphore_mem>>) src(%arg5 : memref<2048xf32, #tpu.memory_space<hbm>>) dst(%arg13 : memref<2048xf32, #tpu.memory_space<vmem>>)
      tpu.yield
    }) : () -> ()
    "tpu.region"() ({
      %run_scoped3A = tpu.sem_alloc : memref<!tpu.dma_semaphore, #tpu.memory_space<semaphore_mem>>
      tpu.enqueue_dma source(%arg6 : memref<2048xf32, #tpu.memory_space<hbm>>) target(%arg14 : memref<2048xf32, #tpu.memory_space<vmem>>) target_semaphore(%run_scoped3A : memref<!tpu.dma_semaphore, #tpu.memory_space<semaphore_mem>>)
      tpu.wait_dma2 semaphore(%run_scoped3A : memref<!tpu.dma_semaphore, #tpu.memory_space<semaphore_mem>>) src(%arg6 : memref<2048xf32, #tpu.memory_space<hbm>>) dst(%arg14 : memref<2048xf32, #tpu.memory_space<vmem>>)
      tpu.yield
    }) : () -> ()
    %iota3A = tpu.iota {dimensions = array<i32: 0>} : vector<16xi32>
    %scan3A = arith.constant 0 : i32
    %scan3A_3 = arith.constant 0 : i32
    %scan3A_4 = arith.constant 4 : i32
    %scan3A_5 = arith.addi %scan3A_3, %scan3A_4 : i32
    %scan3A_6 = arith.constant 1 : i32
    scf.for %scan3A_8 = %scan3A_3 to %scan3A_5 step %scan3A_6  : i32 {
      %mul3A_9 = arith.constant 16 : i32
      %mul3A_10 = arith.muli %scan3A_8, %mul3A_9 : i32
      %add3A_11 = arith.addi %mul3A_2, %mul3A_10 : i32
      "tpu.region"() ({
        %run_scoped3A = tpu.sem_alloc : memref<!tpu.dma_semaphore, #tpu.memory_space<semaphore_mem>>
        %dma_start3A = arith.constant 0 : i32
        %dma_start3A_18 = tpu.memref_slice %arg7[%add3A_11, %dma_start3A] : memref<2048x2048xf32, #tpu.memory_space<hbm>> -> memref<16x2048xf32, #tpu.memory_space<hbm>>
        %dma_start3A_19 = arith.constant 0 : i32
        %dma_start3A_20 = tpu.memref_slice %arg7[%add3A_11, %dma_start3A_19] : memref<2048x2048xf32, #tpu.memory_space<hbm>> -> memref<16x2048xf32, #tpu.memory_space<hbm>>
        tpu.enqueue_dma source(%dma_start3A_20 : memref<16x2048xf32, #tpu.memory_space<hbm>>) target(%arg12 : memref<16x2048xf32, #tpu.memory_space<vmem>>) target_semaphore(%run_scoped3A : memref<!tpu.dma_semaphore, #tpu.memory_space<semaphore_mem>>)
        %dma_wait3A = arith.constant 0 : i32
        %dma_wait3A_21 = tpu.memref_slice %arg7[%add3A_11, %dma_wait3A] : memref<2048x2048xf32, #tpu.memory_space<hbm>> -> memref<16x2048xf32, #tpu.memory_space<hbm>>
        %dma_wait3A_22 = arith.constant 0 : i32
        %dma_wait3A_23 = tpu.memref_slice %arg7[%add3A_11, %dma_wait3A_22] : memref<2048x2048xf32, #tpu.memory_space<hbm>> -> memref<16x2048xf32, #tpu.memory_space<hbm>>
        tpu.wait_dma2 semaphore(%run_scoped3A : memref<!tpu.dma_semaphore, #tpu.memory_space<semaphore_mem>>) src(%dma_wait3A_23 : memref<16x2048xf32, #tpu.memory_space<hbm>>) dst(%arg12 : memref<16x2048xf32, #tpu.memory_space<vmem>>)
        tpu.yield
      }) : () -> ()
      %scan3A_12 = arith.constant 0 : i32
      %scan3A_13 = arith.constant 0 : i32
      %scan3A_14 = arith.constant 4 : i32
      %scan3A_15 = arith.addi %scan3A_13, %scan3A_14 : i32
      %scan3A_16 = arith.constant 1 : i32
      scf.for %scan3A_18 = %scan3A_13 to %scan3A_15 step %scan3A_16  : i32 {
        "tpu.region"() ({
          %run_scoped3A = tpu.sem_alloc : memref<!tpu.dma_semaphore, #tpu.memory_space<semaphore_mem>>
          %dma_start3A_29 = tpu.memref_slice %arg2[%scan3A_18, %add3A_11] : memref<4x2048xi32, #tpu.memory_space<hbm>> -> memref<1x16xi32, #tpu.memory_space<hbm>>
          %dma_start3A_30 = tpu.memref_squeeze %dma_start3A_29 : memref<1x16xi32, #tpu.memory_space<hbm>> -> memref<16xi32, #tpu.memory_space<hbm>>
          %dma_start3A_31 = tpu.memref_slice %arg2[%scan3A_18, %add3A_11] : memref<4x2048xi32, #tpu.memory_space<hbm>> -> memref<1x16xi32, #tpu.memory_space<hbm>>
          %dma_start3A_32 = tpu.memref_squeeze %dma_start3A_31 : memref<1x16xi32, #tpu.memory_space<hbm>> -> memref<16xi32, #tpu.memory_space<hbm>>
          tpu.enqueue_dma source(%dma_start3A_32 : memref<16xi32, #tpu.memory_space<hbm>>) target(%arg9 : memref<16xi32, #tpu.memory_space<vmem>>) target_semaphore(%run_scoped3A : memref<!tpu.dma_semaphore, #tpu.memory_space<semaphore_mem>>)
          %dma_wait3A_33 = tpu.memref_slice %arg2[%scan3A_18, %add3A_11] : memref<4x2048xi32, #tpu.memory_space<hbm>> -> memref<1x16xi32, #tpu.memory_space<hbm>>
          %dma_wait3A_34 = tpu.memref_squeeze %dma_wait3A_33 : memref<1x16xi32, #tpu.memory_space<hbm>> -> memref<16xi32, #tpu.memory_space<hbm>>
          %dma_wait3A_35 = tpu.memref_slice %arg2[%scan3A_18, %add3A_11] : memref<4x2048xi32, #tpu.memory_space<hbm>> -> memref<1x16xi32, #tpu.memory_space<hbm>>
          %dma_wait3A_36 = tpu.memref_squeeze %dma_wait3A_35 : memref<1x16xi32, #tpu.memory_space<hbm>> -> memref<16xi32, #tpu.memory_space<hbm>>
          tpu.wait_dma2 semaphore(%run_scoped3A : memref<!tpu.dma_semaphore, #tpu.memory_space<semaphore_mem>>) src(%dma_wait3A_36 : memref<16xi32, #tpu.memory_space<hbm>>) dst(%arg9 : memref<16xi32, #tpu.memory_space<vmem>>)
          tpu.yield
        }) : () -> ()
        "tpu.region"() ({
          %run_scoped3A = tpu.sem_alloc : memref<!tpu.dma_semaphore, #tpu.memory_space<semaphore_mem>>
          %dma_start3A_29 = tpu.memref_slice %arg3[%scan3A_18, %add3A_11] : memref<4x2048xi32, #tpu.memory_space<hbm>> -> memref<1x16xi32, #tpu.memory_space<hbm>>
          %dma_start3A_30 = tpu.memref_squeeze %dma_start3A_29 : memref<1x16xi32, #tpu.memory_space<hbm>> -> memref<16xi32, #tpu.memory_space<hbm>>
          %dma_start3A_31 = tpu.memref_slice %arg3[%scan3A_18, %add3A_11] : memref<4x2048xi32, #tpu.memory_space<hbm>> -> memref<1x16xi32, #tpu.memory_space<hbm>>
          %dma_start3A_32 = tpu.memref_squeeze %dma_start3A_31 : memref<1x16xi32, #tpu.memory_space<hbm>> -> memref<16xi32, #tpu.memory_space<hbm>>
          tpu.enqueue_dma source(%dma_start3A_32 : memref<16xi32, #tpu.memory_space<hbm>>) target(%arg10 : memref<16xi32, #tpu.memory_space<vmem>>) target_semaphore(%run_scoped3A : memref<!tpu.dma_semaphore, #tpu.memory_space<semaphore_mem>>)
          %dma_wait3A_33 = tpu.memref_slice %arg3[%scan3A_18, %add3A_11] : memref<4x2048xi32, #tpu.memory_space<hbm>> -> memref<1x16xi32, #tpu.memory_space<hbm>>
          %dma_wait3A_34 = tpu.memref_squeeze %dma_wait3A_33 : memref<1x16xi32, #tpu.memory_space<hbm>> -> memref<16xi32, #tpu.memory_space<hbm>>
          %dma_wait3A_35 = tpu.memref_slice %arg3[%scan3A_18, %add3A_11] : memref<4x2048xi32, #tpu.memory_space<hbm>> -> memref<1x16xi32, #tpu.memory_space<hbm>>
          %dma_wait3A_36 = tpu.memref_squeeze %dma_wait3A_35 : memref<1x16xi32, #tpu.memory_space<hbm>> -> memref<16xi32, #tpu.memory_space<hbm>>
          tpu.wait_dma2 semaphore(%run_scoped3A : memref<!tpu.dma_semaphore, #tpu.memory_space<semaphore_mem>>) src(%dma_wait3A_36 : memref<16xi32, #tpu.memory_space<hbm>>) dst(%arg10 : memref<16xi32, #tpu.memory_space<vmem>>)
          tpu.yield
        }) : () -> ()
        %dma_start3A = arith.constant 0 : i32
        %dma_start3A_19 = arith.constant 0 : i32
        %dma_start3A_20 = tpu.memref_slice %arg4[%dma_start3A, %dma_start3A_19] : memref<32000x2048xf32, #tpu.memory_space<hbm>> -> memref<32000x2048xf32, #tpu.memory_space<hbm>>
        tpu.enqueue_indirect_dma source(%dma_start3A_20 : memref<32000x2048xf32, #tpu.memory_space<hbm>>) target(%arg11 : memref<16x2048xf32, #tpu.memory_space<vmem>>) offsets(%arg9 : memref<16xi32, #tpu.memory_space<vmem>>) semaphore(%arg15 : memref<!tpu.dma_semaphore, #tpu.memory_space<semaphore_mem>>)
        %dma_wait3A = arith.constant 0 : i32
        %dma_wait3A_21 = arith.constant 0 : i32
        %dma_wait3A_22 = tpu.memref_slice %arg4[%dma_wait3A, %dma_wait3A_21] : memref<32000x2048xf32, #tpu.memory_space<hbm>> -> memref<32000x2048xf32, #tpu.memory_space<hbm>>
        tpu.wait_indirect_dma semaphore(%arg15 : memref<!tpu.dma_semaphore, #tpu.memory_space<semaphore_mem>>) src(%dma_wait3A_22 : memref<32000x2048xf32, #tpu.memory_space<hbm>>) dst(%arg11 : memref<16x2048xf32, #tpu.memory_space<vmem>>)
        %scan3A_23 = arith.constant 0 : i32
        %scan3A_24 = arith.constant 0 : i32
        %scan3A_25 = arith.constant 16 : i32
        %scan3A_26 = arith.addi %scan3A_24, %scan3A_25 : i32
        %scan3A_27 = arith.constant 1 : i32
        scf.for %scan3A_29 = %scan3A_24 to %scan3A_26 step %scan3A_27  : i32 {
          %get3A = arith.constant 0 : index
          %get3A_30 = tpu.vector_load %arg10[%get3A] {strides = array<i32>} : memref<16xi32, #tpu.memory_space<vmem>>, vector<16xi32>,
          %convert_element_type3A = arith.sitofp %get3A_30 : vector<16xi32> to vector<16xf32>
          %eq3A = vector.broadcast %scan3A_29 : i32 to vector<16xi32>
          %eq3A_31 = arith.cmpi eq, %iota3A, %eq3A : vector<16xi32>
          %jit3A = arith.constant 0.000000e+00 : f32
          %broadcast_in_dim3A = vector.broadcast %jit3A : f32 to vector<16xf32>
          %select_n3A = arith.select %eq3A_31, %convert_element_type3A, %broadcast_in_dim3A : vector<16xi1>, vector<16xf32>
          %reduce_sum3A = arith.constant true
          %reduce_sum3A_32 = vector.broadcast %reduce_sum3A : i1 to vector<16xi1>
          %reduce_sum3A_33 = tpu.scan <sum>, %select_n3A masked %reduce_sum3A_32 : vector<16xf32>, vector<16xi1> -> vector<16xf32>
          %reduce_sum3A_34 = vector.extract %reduce_sum3A_33[15] : f32 from vector<16xf32>
          %broadcast_in_dim3A_35 = vector.broadcast %reduce_sum3A_34 : f32 to vector<16xf32>
          %broadcast_in_dim3A_36 = arith.constant 0.000000e+00 : f32
          %broadcast_in_dim3A_37 = vector.broadcast %broadcast_in_dim3A_36 : f32 to vector<16xf32>
          %scan3A_38 = arith.constant 0 : i32
          %scan3A_39 = arith.constant 128 : i32
          %scan3A_40 = arith.addi %scan3A_38, %scan3A_39 : i32
          %scan3A_41 = arith.constant 1 : i32
          %scan3A_42:2 = scf.for %scan3A_100 = %scan3A_38 to %scan3A_40 step %scan3A_41 iter_args(%scan3A_101 = %broadcast_in_dim3A_37, %scan3A_102 = %broadcast_in_dim3A_37) -> (vector<16xf32>, vector<16xf32>)  : i32 {
            %mul3A_103 = arith.constant 16 : i32
            %mul3A_104 = arith.muli %scan3A_100, %mul3A_103 : i32
            %get3A_105 = arith.index_cast %scan3A_29 : i32 to index
            %get3A_106 = arith.index_cast %mul3A_104 : i32 to index
            %get3A_107 = tpu.vector_load %arg11[%get3A_105, %get3A_106] {strides = array<i32>} : memref<16x2048xf32, #tpu.memory_space<vmem>>, vector<16xf32>,
            %mul3A_108 = arith.constant 16 : i32
            %mul3A_109 = arith.muli %scan3A_100, %mul3A_108 : i32
            %get3A_110 = arith.index_cast %scan3A_29 : i32 to index
            %get3A_111 = arith.index_cast %mul3A_109 : i32 to index
            %get3A_112 = tpu.vector_load %arg12[%get3A_110, %get3A_111] {strides = array<i32>} : memref<16x2048xf32, #tpu.memory_space<vmem>>, vector<16xf32>,
            %mul3A_113 = arith.constant 45.2548332 : f32
            %mul3A_114 = vector.broadcast %mul3A_113 : f32 to vector<16xf32>
            %mul3A_115 = arith.mulf %get3A_107, %mul3A_114 : vector<16xf32>
            %add3A_116 = arith.addf %mul3A_115, %get3A_112 : vector<16xf32>
            %mul3A_117 = arith.mulf %add3A_116, %broadcast_in_dim3A_35 : vector<16xf32>
            %mul3A_118 = arith.constant 16 : i32
            %mul3A_119 = arith.muli %scan3A_100, %mul3A_118 : i32
            %swap3A = arith.index_cast %scan3A_29 : i32 to index
            %swap3A_120 = arith.index_cast %mul3A_119 : i32 to index
            %swap3A_121 = tpu.vector_load %arg11[%swap3A, %swap3A_120] {strides = array<i32>} : memref<16x2048xf32, #tpu.memory_space<vmem>>, vector<16xf32>,
            tpu.vector_store %arg11[%swap3A, %swap3A_120], %mul3A_117 {strides = array<i32>} : memref<16x2048xf32, #tpu.memory_space<vmem>>, vector<16xf32>,
            %add3A_122 = arith.addf %scan3A_101, %mul3A_117 : vector<16xf32>
            %mul3A_123 = arith.mulf %mul3A_117, %mul3A_117 : vector<16xf32>
            %add3A_124 = arith.addf %scan3A_102, %mul3A_123 : vector<16xf32>
            scf.yield %add3A_122, %add3A_124 : vector<16xf32>, vector<16xf32>
          }
          %scan3A_43 = arith.constant 128 : i32
          %reduce_sum3A_44 = arith.constant true
          %reduce_sum3A_45 = vector.broadcast %reduce_sum3A_44 : i1 to vector<16xi1>
          %reduce_sum3A_46 = tpu.scan <sum>, %scan3A_42#0 masked %reduce_sum3A_45 : vector<16xf32>, vector<16xi1> -> vector<16xf32>
          %reduce_sum3A_47 = vector.extract %reduce_sum3A_46[15] : f32 from vector<16xf32>
          %mul3A_48 = arith.constant 4.8828125E-4 : f32
          %mul3A_49 = arith.mulf %reduce_sum3A_47, %mul3A_48 : f32
          %reduce_sum3A_50 = arith.constant true
          %reduce_sum3A_51 = vector.broadcast %reduce_sum3A_50 : i1 to vector<16xi1>
          %reduce_sum3A_52 = tpu.scan <sum>, %scan3A_42#1 masked %reduce_sum3A_51 : vector<16xf32>, vector<16xi1> -> vector<16xf32>
          %reduce_sum3A_53 = vector.extract %reduce_sum3A_52[15] : f32 from vector<16xf32>
          %mul3A_54 = arith.constant 4.8828125E-4 : f32
          %mul3A_55 = arith.mulf %reduce_sum3A_53, %mul3A_54 : f32
          %mul3A_56 = arith.mulf %mul3A_49, %mul3A_49 : f32
          %sub3A = arith.subf %mul3A_55, %mul3A_56 : f32
          %add3A_57 = arith.constant 9.99999974E-6 : f32
          %add3A_58 = arith.addf %sub3A, %add3A_57 : f32
          %broadcast_in_dim3A_59 = vector.broadcast %add3A_58 : f32 to vector<16xf32>
          %bitcast_convert_type3A = tpu.bitcast %broadcast_in_dim3A_59 : vector<16xf32> -> vector<16xi32>
          %shift_right_logical3A = arith.constant 1 : i32
          %shift_right_logical3A_60 = vector.broadcast %shift_right_logical3A : i32 to vector<16xi32>
          %shift_right_logical3A_61 = arith.shrui %bitcast_convert_type3A, %shift_right_logical3A_60 : vector<16xi32>
          %sub3A_62 = arith.constant 1597463007 : i32
          %sub3A_63 = vector.broadcast %sub3A_62 : i32 to vector<16xi32>
          %sub3A_64 = arith.subi %sub3A_63, %shift_right_logical3A_61 : vector<16xi32>
          %bitcast_convert_type3A_65 = tpu.bitcast %sub3A_64 : vector<16xi32> -> vector<16xf32>
          %mul3A_66 = arith.constant 5.000000e-01 : f32
          %mul3A_67 = vector.broadcast %mul3A_66 : f32 to vector<16xf32>
          %mul3A_68 = arith.mulf %mul3A_67, %broadcast_in_dim3A_59 : vector<16xf32>
          %mul3A_69 = arith.mulf %mul3A_68, %bitcast_convert_type3A_65 : vector<16xf32>
          %mul3A_70 = arith.mulf %mul3A_69, %bitcast_convert_type3A_65 : vector<16xf32>
          %sub3A_71 = arith.constant 1.500000e+00 : f32
          %sub3A_72 = vector.broadcast %sub3A_71 : f32 to vector<16xf32>
          %sub3A_73 = arith.subf %sub3A_72, %mul3A_70 : vector<16xf32>
          %mul3A_74 = arith.mulf %bitcast_convert_type3A_65, %sub3A_73 : vector<16xf32>
          %mul3A_75 = arith.constant 5.000000e-01 : f32
          %mul3A_76 = vector.broadcast %mul3A_75 : f32 to vector<16xf32>
          %mul3A_77 = arith.mulf %mul3A_76, %broadcast_in_dim3A_59 : vector<16xf32>
          %mul3A_78 = arith.mulf %mul3A_77, %mul3A_74 : vector<16xf32>
          %mul3A_79 = arith.mulf %mul3A_78, %mul3A_74 : vector<16xf32>
          %sub3A_80 = arith.constant 1.500000e+00 : f32
          %sub3A_81 = vector.broadcast %sub3A_80 : f32 to vector<16xf32>
          %sub3A_82 = arith.subf %sub3A_81, %mul3A_79 : vector<16xf32>
          %mul3A_83 = arith.mulf %mul3A_74, %sub3A_82 : vector<16xf32>
          %mul3A_84 = arith.constant 5.000000e-01 : f32
          %mul3A_85 = vector.broadcast %mul3A_84 : f32 to vector<16xf32>
          %mul3A_86 = arith.mulf %mul3A_85, %broadcast_in_dim3A_59 : vector<16xf32>
          %mul3A_87 = arith.mulf %mul3A_86, %mul3A_83 : vector<16xf32>
          %mul3A_88 = arith.mulf %mul3A_87, %mul3A_83 : vector<16xf32>
          %sub3A_89 = arith.constant 1.500000e+00 : f32
          %sub3A_90 = vector.broadcast %sub3A_89 : f32 to vector<16xf32>
          %sub3A_91 = arith.subf %sub3A_90, %mul3A_88 : vector<16xf32>
          %mul3A_92 = arith.mulf %mul3A_83, %sub3A_91 : vector<16xf32>
          %broadcast_in_dim3A_93 = vector.broadcast %mul3A_49 : f32 to vector<16xf32>
          %scan3A_94 = arith.constant 0 : i32
          %scan3A_95 = arith.constant 0 : i32
          %scan3A_96 = arith.constant 128 : i32
          %scan3A_97 = arith.addi %scan3A_95, %scan3A_96 : i32
          %scan3A_98 = arith.constant 1 : i32
          scf.for %scan3A_100 = %scan3A_95 to %scan3A_97 step %scan3A_98  : i32 {
            %mul3A_101 = arith.constant 16 : i32
            %mul3A_102 = arith.muli %scan3A_100, %mul3A_101 : i32
            %get3A_103 = arith.index_cast %scan3A_29 : i32 to index
            %get3A_104 = arith.index_cast %mul3A_102 : i32 to index
            %get3A_105 = tpu.vector_load %arg11[%get3A_103, %get3A_104] {strides = array<i32>} : memref<16x2048xf32, #tpu.memory_space<vmem>>, vector<16xf32>,
            %mul3A_106 = arith.constant 16 : i32
            %mul3A_107 = arith.muli %scan3A_100, %mul3A_106 : i32
            %get3A_108 = arith.index_cast %mul3A_107 : i32 to index
            %get3A_109 = tpu.vector_load %arg13[%get3A_108] {strides = array<i32>} : memref<2048xf32, #tpu.memory_space<vmem>>, vector<16xf32>,
            %mul3A_110 = arith.constant 16 : i32
            %mul3A_111 = arith.muli %scan3A_100, %mul3A_110 : i32
            %get3A_112 = arith.index_cast %mul3A_111 : i32 to index
            %get3A_113 = tpu.vector_load %arg14[%get3A_112] {strides = array<i32>} : memref<2048xf32, #tpu.memory_space<vmem>>, vector<16xf32>,
            %sub3A_114 = arith.subf %get3A_105, %broadcast_in_dim3A_93 : vector<16xf32>
            %mul3A_115 = arith.mulf %sub3A_114, %mul3A_92 : vector<16xf32>
            %mul3A_116 = arith.mulf %mul3A_115, %get3A_109 : vector<16xf32>
            %add3A_117 = arith.addf %mul3A_116, %get3A_113 : vector<16xf32>
            %mul3A_118 = arith.constant 16 : i32
            %mul3A_119 = arith.muli %scan3A_100, %mul3A_118 : i32
            %swap3A = arith.index_cast %scan3A_29 : i32 to index
            %swap3A_120 = arith.index_cast %mul3A_119 : i32 to index
            %swap3A_121 = tpu.vector_load %arg11[%swap3A, %swap3A_120] {strides = array<i32>} : memref<16x2048xf32, #tpu.memory_space<vmem>>, vector<16xf32>,
            tpu.vector_store %arg11[%swap3A, %swap3A_120], %add3A_117 {strides = array<i32>} : memref<16x2048xf32, #tpu.memory_space<vmem>>, vector<16xf32>,
          }
          %scan3A_99 = arith.constant 128 : i32
        }
        %scan3A_28 = arith.constant 16 : i32
        "tpu.region"() ({
          %run_scoped3A = tpu.sem_alloc : memref<!tpu.dma_semaphore, #tpu.memory_space<semaphore_mem>>
          %dma_start3A_29 = arith.constant 0 : i32
          %dma_start3A_30 = tpu.memref_slice %arg8[%scan3A_18, %add3A_11, %dma_start3A_29] : memref<4x2048x2048xf32, #tpu.memory_space<hbm>> -> memref<1x16x2048xf32, #tpu.memory_space<hbm>>
          %dma_start3A_31 = tpu.memref_squeeze %dma_start3A_30 : memref<1x16x2048xf32, #tpu.memory_space<hbm>> -> memref<16x2048xf32, #tpu.memory_space<hbm>>
          %dma_start3A_32 = arith.constant 0 : i32
          %dma_start3A_33 = tpu.memref_slice %arg8[%scan3A_18, %add3A_11, %dma_start3A_32] : memref<4x2048x2048xf32, #tpu.memory_space<hbm>> -> memref<1x16x2048xf32, #tpu.memory_space<hbm>>
          %dma_start3A_34 = tpu.memref_squeeze %dma_start3A_33 : memref<1x16x2048xf32, #tpu.memory_space<hbm>> -> memref<16x2048xf32, #tpu.memory_space<hbm>>
          tpu.enqueue_dma source(%arg11 : memref<16x2048xf32, #tpu.memory_space<vmem>>) target(%dma_start3A_34 : memref<16x2048xf32, #tpu.memory_space<hbm>>) target_semaphore(%run_scoped3A : memref<!tpu.dma_semaphore, #tpu.memory_space<semaphore_mem>>)
          %dma_wait3A_35 = arith.constant 0 : i32
          %dma_wait3A_36 = tpu.memref_slice %arg8[%scan3A_18, %add3A_11, %dma_wait3A_35] : memref<4x2048x2048xf32, #tpu.memory_space<hbm>> -> memref<1x16x2048xf32, #tpu.memory_space<hbm>>
          %dma_wait3A_37 = tpu.memref_squeeze %dma_wait3A_36 : memref<1x16x2048xf32, #tpu.memory_space<hbm>> -> memref<16x2048xf32, #tpu.memory_space<hbm>>
          %dma_wait3A_38 = arith.constant 0 : i32
          %dma_wait3A_39 = tpu.memref_slice %arg8[%scan3A_18, %add3A_11, %dma_wait3A_38] : memref<4x2048x2048xf32, #tpu.memory_space<hbm>> -> memref<1x16x2048xf32, #tpu.memory_space<hbm>>
          %dma_wait3A_40 = tpu.memref_squeeze %dma_wait3A_39 : memref<1x16x2048xf32, #tpu.memory_space<hbm>> -> memref<16x2048xf32, #tpu.memory_space<hbm>>
          tpu.wait_dma2 semaphore(%run_scoped3A : memref<!tpu.dma_semaphore, #tpu.memory_space<semaphore_mem>>) src(%arg11 : memref<16x2048xf32, #tpu.memory_space<vmem>>) dst(%dma_wait3A_40 : memref<16x2048xf32, #tpu.memory_space<hbm>>)
          tpu.yield
        }) : () -> ()
      }
      %scan3A_17 = arith.constant 4 : i32
    }
    %scan3A_7 = arith.constant 4 : i32
    return
  }
}

</mosaic_0001>

<sc_bundles>
// kernel: kernel.3.cloned.1.call-start
scs
__scs_entry_jumppad:
0x0: {  	(pc) =	sbr.rel $0x88, $3  }
0x1: {  	(tag) =	ssettag $0x0;
	lr =	simm.s32 $0x1  }
0x2: {  	[smem:$0x3F9C] =	sst lr;
	_ =	strace $0xD0000000  }
0x3: {  	_ = 	snop  }
0x4: {  	_ = 	snop  }
0x5: {  	_ = 	snop  }
0x6: {  	_ = 	snop  }
0x7: {  	_ = 	snop  }
__scs_overlays_trampoline_lowered:
0x8: {  	[smem:$0x3FAB] =	sst s0  }
0x9: {  	[smem:$0x3FAC] =	sst s1  }
0xa: {  	[smem:$0x3FAD] =	sst s2  }
0xb: {  	[smem:$0x3FAE] =	sst s3  }
0xc: {  	[smem:$0x3FAF] =	sst s4  }
0xd: {  	[smem:$0x3FB0] =	sst s5  }
0xe: {  	[smem:$0x3FB1] =	sst s6  }
0xf: {  	[smem:$0x3FB2] =	sst s7  }
0x10: {  	[smem:$0x3FB3] =	sst s8  }
0x11: {  	[smem:$0x3FB4] =	sst s9;
	s0 =	simm.s32 @!p0 $0x0  }
0x12: {  	s1 =	sld [smem:$0x3F9A];
	s0 =	simm.s32 @p0 $0x1  }
0x13: {  	[smem:$0x3FB5] =	sst s0;
	s0 =	simm.s32 @!p1 $0x0  }
0x14: {  	s2 =	sld [smem:$0x3F99];
	s0 =	simm.s32 @p1 $0x1  }
0x15: {  	[smem:$0x3FB6] =	sst s0;
	s0 =	simm.s32 @!p2 $0x0  }
0x16: {  	s3 =	sld [smem:$0x3FDB];
	s0 =	simm.s32 @p2 $0x1  }
0x17: {  	s4 =	simm.s32 $0x1BF5;
	[smem:$0x3FB8] =	sst s0  }
0x18: {  	s0 =	sld [smem:$0x3F9B];
	_ =	swait.ge [sflag:s4], $0x0  }
0x19: {  	s7 =	sld [smem:$0x3F9C]  }
0x1a: {  	s8 =	sadd.s32 $0xFFFFE003, lr  }
0x1b: {  	s9 =	sadd.s32 $0xFFFFFEF7, lr;
	s5 =	simm.s32 $0xFFFFFFFF;
	p2 =	slt.u32 s8, $0xFFFFF086  }
0x1c: {  	p1 =	slt.u32 s9, $0xF7A;
	s5 =	simm.s32 @!p2 $0x0  }
0x1d: {  	s5 =	simm.s32 @p1 $0x1;
	p0 =	seq.s32 s7, s2  }
0x1e: {  	s7 =	smul.u32 @!p0 $0xF7A, s2;
	p2 =	seq.s32 @!p0 s5, $0x0  }
0x1f: {  	s9 =	smul.u32 $0xF7A, s1;
	s8 =	simm.s32 @!p0 $0x1BF5;
	p2 =	por !p2, p0  }
0x20: {  	[sflag:s8] =	ssyncset.s32 @!p0 $0xFFFFF086;
	s6 =	sadd.s32 @!p0 s3, s7;
	s7 =	simm.s32 @!p0 $0x108  }
0x21: {  	s3 =	sadd.s32 s3, s9;
	s6 =	sadd.s32 @!p0 $0x88, s6;
	s7 =	simm.s32 @p2 $0x1082  }
0x22: {  	[simem:s7], [sflag:s8] =	dma.local @!p0 [hbm:s6], $0xF7A  }
0x23: {  	s9 =	sor.u32 $0xD0000000, s2;
	s6 =	simm.s32 $0x108;
	_ =	swait.ge @!p0 [sflag:s8], $0x0  }
0x24: {  	s3 =	sadd.s32 $0x88, s3;
	s6 =	simm.s32 @!p1 $0x1082;
	[sflag:s4] =	ssyncset.s32 $0xFFFFF086  }
0x25: {  	[simem:s6], [sflag:s4] =	dma.local [hbm:s3], $0xF7A  }
0x26: {  	[smem:$0x3F9C] =	sst s1;
	(tag) =	ssettag s2;
	_ =	strace s9  }
0x27: {  	s1 =	sld [smem:$0x3FAC]  }
0x28: {  	s2 =	sld [smem:$0x3FAD]  }
0x29: {  	s4 =	sld [smem:$0x3FAF]  }
0x2a: {  	p0 =	seq.s32 s5, $0x0;
	s5 =	sld [smem:$0x3FB0]  }
0x2b: {  	s6 =	sld [smem:$0x3FB1]  }
0x2c: {  	s7 =	sld [smem:$0x3FB2]  }
0x2d: {  	s3 =	simm.s32 $0x108;
	s8 =	sld [smem:$0x3FB3]  }
0x2e: {  	s3 =	simm.s32 @!p0 $0x1082;
	s9 =	sld [smem:$0x3FB4]  }
0x2f: {  	lr =	sadd.s32 s0, s3;
	s0 =	sld [smem:$0x3FAB]  }
0x30: {  	s3 =	sld [smem:$0x3FAE]  }
0x31: {  	[smem:$0x3FB7] =	sst s10  }
0x32: {  	s10 =	sld [smem:$0x3FB5];
	_ =	sdelay $0x3  }
0x33: {  	p0 =	seq.s32 s10, $0x1;
	s10 =	sld [smem:$0x3FB7];
	_ =	sdelay $0x3  }
0x34: {  	[smem:$0x3FB7] =	sst s10  }
0x35: {  	s10 =	sld [smem:$0x3FB6];
	_ =	sdelay $0x3  }
0x36: {  	p1 =	seq.s32 s10, $0x1;
	s10 =	sld [smem:$0x3FB7];
	_ =	sdelay $0x3  }
0x37: {  	[smem:$0x3FB7] =	sst s10  }
0x38: {  	s10 =	sld [smem:$0x3FB8]  }
0x39: {  	_ = 	snop;
	(pc) =	sbr.ind lr, $3  }
0x3a: {  	_ = 	snop  }
0x3b: {  	_ = 	snop  }
0x3c: {  	p2 =	seq.s32 s10, $0x1;
	s10 =	sld [smem:$0x3FB7]  }
0x3d: {  	_ =	shalt  }
0x3e: {  	_ =	shalt  }
0x3f: {  	_ =	shalt  }
0x40: {  	_ =	shalt  }
0x41: {  	_ =	shalt  }
0x42: {  	_ =	shalt  }
0x43: {  	_ =	shalt  }
0x44: {  	_ =	shalt  }
0x45: {  	_ =	shalt  }
0x46: {  	_ =	shalt  }
0x47: {  	_ =	shalt  }
0x48: {  	_ =	shalt  }
0x49: {  	_ =	shalt  }
0x4a: {  	_ =	shalt  }
0x4b: {  	_ =	shalt  }
0x4c: {  	_ =	shalt  }
0x4d: {  	_ =	shalt  }
0x4e: {  	_ =	shalt  }
0x4f: {  	_ =	shalt  }
0x50: {  	_ =	shalt  }
0x51: {  	_ =	shalt  }
0x52: {  	_ =	shalt  }
0x53: {  	_ =	shalt  }
0x54: {  	_ =	shalt  }
0x55: {  	_ =	shalt  }
0x56: {  	_ =	shalt  }
0x57: {  	_ =	shalt  }
0x58: {  	_ =	shalt  }
0x59: {  	_ =	shalt  }
0x5a: {  	_ =	shalt  }
0x5b: {  	_ =	shalt  }
0x5c: {  	_ =	shalt  }
0x5d: {  	_ =	shalt  }
0x5e: {  	_ =	shalt  }
0x5f: {  	_ =	shalt  }
0x60: {  	_ =	shalt  }
0x61: {  	_ =	shalt  }
0x62: {  	_ =	shalt  }
0x63: {  	_ =	shalt  }
0x64: {  	_ =	shalt  }
0x65: {  	_ =	shalt  }
0x66: {  	_ =	shalt  }
0x67: {  	_ =	shalt  }
0x68: {  	_ =	shalt  }
0x69: {  	_ =	shalt  }
0x6a: {  	_ =	shalt  }
0x6b: {  	_ =	shalt  }
0x6c: {  	_ =	shalt  }
0x6d: {  	_ =	shalt  }
0x6e: {  	_ =	shalt  }
0x6f: {  	_ =	shalt  }
0x70: {  	_ =	shalt  }
0x71: {  	_ =	shalt  }
0x72: {  	_ =	shalt  }
0x73: {  	_ =	shalt  }
0x74: {  	_ =	shalt  }
0x75: {  	_ =	shalt  }
0x76: {  	_ =	shalt  }
0x77: {  	_ =	shalt  }
0x78: {  	_ =	shalt  }
0x79: {  	_ =	shalt  }
0x7a: {  	_ =	shalt  }
0x7b: {  	_ =	shalt  }
0x7c: {  	_ =	shalt  }
0x7d: {  	_ =	shalt  }
0x7e: {  	_ =	shalt  }
0x7f: {  	_ =	shalt  }
0x80: {  	_ =	shalt  }
0x81: {  	_ =	shalt  }
0x82: {  	_ =	shalt  }
0x83: {  	_ =	shalt  }
0x84: {  	_ =	shalt  }
0x85: {  	_ =	shalt  }
0x86: {  	_ =	shalt  }
0x87: {  	_ =	shalt  }
.Lfunc_end0:
.L_simem_size_0:
called_computation_lowered:
.L_overlay_start_0:
0x88: {  	s2 =	sld [smem:$0x3FD9]  }
0x89: {  	s3 =	sld [smem:$0x3FFE];
	_ =	sdelay $0x1  }
0x8a: {  	s1 =	srdreg.scid  }
0x8b: {  	s0 =	sand.u32 $0x1, s1  }
0x8c: {  	s17 =	sshll.u32 s0, $0xA;
	s2 =	sadd.s32 s3, s2  }
0x8d: {  	s2 =	sadd.s32 s2, s17  }
0x8e: {  	[smem:$0x3FC3] =	sst s2  }
0x8f: {  	_ = 	snop  }
0x90: {  	s2 =	sld [smem:$0x3FC9]  }
0x91: {  	s18 =	sld [smem:$0x3FC8]  }
0x92: {  	s4 =	sld [smem:$0x3FC7]  }
0x93: {  	s5 =	sld [smem:$0x3FC6]  }
0x94: {  	s6 =	sld [smem:$0x3FC5]  }
0x95: {  	s7 =	sld [smem:$0x3FD0];
	(tm) =	ssettm $0x1  }
0x96: {  	s8 =	sld [smem:$0x3FFB];
	_ =	sdelay $0x3  }
0x97: {  	_ =	strace s8  }
0x98: {  	s8 =	sld [smem:$0x3FFC];
	_ =	sdelay $0x3  }
0x99: {  	_ =	strace s8  }
0x9a: {  	s8 =	sld [smem:$0x3FFD];
	_ =	sdelay $0x3  }
0x9b: {  	_ =	strace s8  }
0x9c: {  	_ =	strace $0x8FFFFFFF  }
0x9d: {  	s19 =	sld [smem:$0x3FDB];
	_ =	sdelay $0x1  }
0x9e: {  	s9 =	simm.s32 $_scs_section_size  }
0x9f: {  	s10 =	simm.s32 $_size__tile_overlayer_lowered;
	s11 =	simm.s32 $_tile_overlayer_lowered  }
0xa0: {  	s22 =	simm.s32 $0x1BFF;
	s21 =	sshll.u32 s11, $0x1;
	s8 =	sadd.s32 s9, s19  }
0xa1: {  	s12 =	simm.s32 $0x0;
	s20 =	sshll.u32 s10, $0x1;
	s10 =	sadd.s32 s21, s8  }
0xa2: {  	[timem:s12], [sflag:s22] =	dma.local [hbm:s10], s20  }
0xa3: {  	_ =	swait.ge [sflag:s22], s20  }
0xa4: {  	s9 =	ssub.s32 $0x0, s20;
	[sflag:s22] =	ssyncset.done $0x0  }
0xa5: {  	[sflag:s22] =	ssyncadd.s32 s9;
	_ =	sdelay $0x1  }
0xa6: {  	s23 =	simm.s32 $0x1B8B  }
0xa7: {  	_ =	swait.ge [sflag:s23], $0x1  }
0xa8: {  	[sflag:s23] =	ssyncset.done $0x0  }
0xa9: {  	s25 =	simm.s32 $0x1B8E;
	s24 =	sld [smem:$0x3FFE];
	[sflag:s23] =	ssyncadd.s32 $0xFFFFFFFF  }
0xaa: {  	s26 =	simm.s32 $execute0_lowered;
	[smem:$0x3FD2] =	sst s25  }
0xab: {  	s10 =	sshll.u32 s26, $0x1;
	_ =	strace $0x80000046;
	[dreg:$0x1] =	wrdreg $0xFFFFFFFF  }
0xac: {  	s28 =	simm.s32 $_size_execute0_lowered;
	s8 =	sadd.s32 s8, s10;
	[dreg:$0x0] =	wrdreg $0x0  }
0xad: {  	s10 =	sshll.u32 s28, $0x1;
	[dreg:$0x2] =	wrdreg s8  }
0xae: {  	[dreg:$0x3] =	wrdreg s10  }
0xaf: {  	[dreg:$0x4] =	wrdreg $0xC0  }
0xb0: {  	_ =	task [dreg:s12], $0x5FFFF  }
0xb1: {  	[dreg:$0x1] =	wrdreg $0xFFFFFFFF  }
0xb2: {  	[dreg:$0x0] =	wrdreg $0x60  }
0xb3: {  	[dreg:$0x2] =	wrdreg s2  }
0xb4: {  	[dreg:$0x3] =	wrdreg s18  }
0xb5: {  	[dreg:$0x4] =	wrdreg s4  }
0xb6: {  	[dreg:$0x5] =	wrdreg s5  }
0xb7: {  	[dreg:$0x6] =	wrdreg s6  }
0xb8: {  	[dreg:$0x7] =	wrdreg s24  }
0xb9: {  	[dreg:$0x8] =	wrdreg s7  }
0xba: {  	[dreg:$0x9] =	wrdreg $0x9  }
0xbb: {  	_ =	task.clear_ibuf [dreg:s12], $0xAFFFF;
	_ =	strace $0x90000046  }
0xbc: {  	s29 =	simm.s32 $0x9;
	_ =	strace $0x80000048  }
0xbd: {  	_ =	swait.ge [sflag:s29], $0x1  }
0xbe: {  	[sflag:s29] =	ssyncadd.s32 $0xFFFFFFFF  }
0xbf: {  	_ =	strace $0x90000048  }
0xc0: {  	_ =	sfence  }
0xc1: {  	s30 =	sld [smem:$0x0];
	_ =	sdelay $0x2  }
0xc2: {  	s31 =	sshll.u32 s1, $0xD;
	s1 =	sshrl.u32 s1, $0x2  }
0xc3: {  	s3 =	sand.u32 $0x4000, s31;
	s1 =	sadd.s32 s1, s30  }
0xc4: {  	s0 =	sor.u32 s3, s0;
	s1 =	sshll.u32 s1, $0x11  }
0xc5: {  	s0 =	sor.u32 s1, s0  }
0xc6: {  	s0 =	sadd.s32 $0x8F2B, s0  }
0xc7: {  	[sflag:s0] =	ssyncadd.remote.s32 $0x1  }
0xc8: {  	_ =	sfence.sel $0xFFFF  }
0xc9: {  	[dreg:$0x0] =	wrdreg $0xFFFFFFFF;
	(pc) =	sbr.abs _section_cstart, $3  }
0xca: {  	[dreg:$0x1] =	wrdreg $0xFFFFFFFF  }
0xcb: {  	_ =	task.clear_ibuf [dreg:s12], $0x2FFFF;
	_ =	strace $0x9FFFFFFF  }
0xcc: {  	(tm) =	ssettm $0x7FFFFFFF  }
0xcd: {  	_ =	shalt  }
tec
execute0_lowered:
.L_overlay_start_1:
0x0: {  	(tag) =	ssettag $0x1  }
0x1: {  	s3 =	rddreg [dreg:$0x2]  }
0x2: {  	s0 =	rddreg [dreg:$0x5];
	s1 =	srdreg.scid  }
0x3: {  	s2 =	simm.s32 $0x0;
	s4 =	stileid.u32;
	s22 =	simm.s32 $0x2  }
0x4: {  	s26 =	simm.s32 $0x100;
	s20 =	simm.s32 $0x5900;
	s6 =	simm.s32 $0x6100  }
0x5: {  	s24 =	simm.s32 $0x6900;
	s9 =	simm.s32 $0x7100;
	s10 =	simm.s32 $0x7900  }
0x6: {  	s11 =	simm.s32 $0x1;
	s23 =	simm.s32 $0x0;
	s12 =	simm.s32 $0x0  }
0x7: {  	s1 =	sand.u32 $0x1, s1;
	[smem:$0x7FF] =	sst s2;
	s0 =	sadd.s32 $0x400, s0  }
0x8: {  	s30 =	sshll.u32 s4, $0xF;
	s31 =	sshll.u32 s4, $0x9;
	s13 =	sadd.s32 $0x100, s3  }
0x9: {  	s14 =	sadd.s32 $0x200, s3;
	s15 =	sadd.s32 $0x300, s3;
	s16 =	sadd.s32 $0x400, s3  }
0xa: {  	s28 =	ssub.s32 $0x2, s1;
	_ =	strace $0x80000047;
	[dreg:$0x8] =	wrdreg s0  }
0xb: {  	s17 =	sadd.s32 $0x500, s3;
	[dreg:$0xa] =	wrdreg s30;
	s29 =	sshrl.u32 s28, $0x1  }
0xc: {  	v0 =	vlaneseq.u32;
	s1 =	sshll.u32 s1, $0x6;
	[dreg:$0xb] =	wrdreg s31;
	s0 =	ssub.s32 s28, s29  }
0xd: {  	vm0 =	vmmov $0xffff;
	s18 =	sadd.s32 $0x600, s3;
	v2 =	vshrl.u32 v0, $0x3;
	[dreg:$0x9] =	wrdreg s1;
	s0 =	smax.u32 s0, $0x1  }
0xe: {  	s19 =	sadd.s32 $0x700, s3;
	v1 =	vand.u32 $0x7, v0;
	v3 =	vor.u32 $0x8, v0;
	v2 =	vmul.u32 $0x8, v2;
	s1 =	simm.s32 $0x0;
	[dreg:$0xc] =	wrdreg s0  }
.LBB2_1:
0xf: {  	[dreg:$0xd] =	wrdreg s1  }
0x10: {  	s0 =	rddreg [dreg:$0x3];
	s29 =	simm.s32 $0x0;
	s2 =	simm.s32 $0x10100  }
0x11: {  	[tilespmem:s2], [sflag:$0x2] =	stream.linear.gather [hbm4b:s0+s29], $0x800, $0x38;
	[tilespmem:$0x11100] =	vst v63  }
0x12: {  	_ =	swait.ge [sflag:s22], $0x800  }
0x13: {  	[sflag:s22] =	ssyncset.done $0x0  }
0x14: {  	[sflag:s22] =	ssyncadd.s32 $0xFFFFF800  }
0x15: {  	s31 =	simm.s32 $0x10900;
	s30 =	rddreg [dreg:$0x4]  }
0x16: {  	[tilespmem:s31], [sflag:$0x2] =	stream.linear.gather [hbm4b:s30+s29], $0x800, $0x38;
	[tilespmem:$0x11100] =	vst v63  }
0x17: {  	_ =	swait.ge [sflag:s22], $0x800  }
0x18: {  	[sflag:s22] =	ssyncset.done $0x0  }
0x19: {  	s0 =	simm.s32 $0x0;
	[sflag:s22] =	ssyncadd.s32 $0xFFFFF800  }
.LBB2_2:
0x1a: {  	s28 =	sshll.u32 s0, $0x4;
	s1 =	rddreg [dreg:$0x9]  }
0x1b: {  	[dreg:$0xe] =	wrdreg s0;
	s0 =	sadd.s32 s1, s28  }
0x1c: {  	s2 =	rddreg [dreg:$0xa];
	s1 =	sshll.u32 s0, $0x8  }
0x1d: {  	s29 =	rddreg [dreg:$0x8];
	s1 =	sadd.s32 s2, s1  }
0x1e: {  	s4 =	simm.s32 $0x8100;
	s2 =	sadd.s32 s29, s1  }
0x1f: {  	[tilespmem:s4], [sflag:$0x2] =	stream.linear.gather [hbm4b:s2+s12], $0x8000, $0x38;
	[tilespmem:$0x11100] =	vst v63  }
0x20: {  	_ =	swait.ge [sflag:s22], $0x8000  }
0x21: {  	[sflag:s22] =	ssyncset.done $0x0  }
0x22: {  	s30 =	rddreg [dreg:$0xb];
	[sflag:s22] =	ssyncadd.s32 $0xFFFF8000  }
0x23: {  	s31 =	rddreg [dreg:$0x6]  }
0x24: {  	s7 =	simm.s32 $0x0;
	s0 =	sadd.s32 s0, s30;
	s1 =	sadd.s32 s31, s1  }
.LBB2_3:
0x25: {  	s2 =	sshll.u32 s7, $0x7  }
0x26: {  	s2 =	sadd.s32 s0, s2  }
0x27: {  	s4 =	rddreg [dreg:$0x0];
	s2 =	sshrl.u32 s2, $0x3  }
0x28: {  	s4 =	sadd.s32 s4, s2  }
0x29: {  	[tilespmem:s12], [sflag:$0x2] =	stream.linear.gather [hbm4b:s4+s12], $0x10, $0x38;
	[tilespmem:$0x11100] =	vst v63  }
0x2a: {  	_ =	swait.ge [sflag:s22], $0x10  }
0x2b: {  	[sflag:s22] =	ssyncset.done $0x0  }
0x2c: {  	[sflag:s22] =	ssyncadd.s32 $0xFFFFFFF0  }
0x2d: {  	s29 =	rddreg [dreg:$0x1]  }
0x2e: {  	s30 =	simm.s32 $0x80;
	s2 =	sadd.s32 s29, s2  }
0x2f: {  	[tilespmem:s30], [sflag:$0x2] =	stream.linear.gather [hbm4b:s2+s12], $0x10, $0x38;
	[tilespmem:$0x11100] =	vst v63  }
0x30: {  	_ =	swait.ge [sflag:s22], $0x10  }
0x31: {  	[sflag:s22] =	ssyncset.done $0x0  }
0x32: {  	[sflag:s22] =	ssyncadd.s32 $0xFFFFFFF0  }
0x33: {  	v4 =	vld [tilespmem:$0x0];
	_ =	sdelay $0x4  }
0x34: {  	v5 =	vshll.u32 v4, $0x4  }
0x35: {  	v4 =	vand.u32 $0x7, v4;
	v5 =	vand.u32 $0xFFFFFF80, v5  }
0x36: {  	v4 =	vor.u32 v4, v5  }
0x37: {  	v5 =	vperm.xlane v4, v1;
	_ =	sdelay $0x1  }
0x38: {  	v5 =	vadd.s32 v2, v5;
	_ =	sdelay $0x4  }
0x39: {  	[tilespmem:s26], [sflag:$0x1] =	stream.indirect_vreg.gather [hbm4b:s3+s12], $0x80, v5, vm0, $0xb8;
	[tilespmem:$0x11100] =	vst v63  }
0x3a: {  	s31 =	simm.s32 $0x900  }
0x3b: {  	[tilespmem:s31], [sflag:$0x1] =	stream.indirect_vreg.gather [hbm4b:s13+s12], $0x80, v5, vm0, $0xb8;
	[tilespmem:$0x11100] =	vst v63  }
0x3c: {  	s4 =	simm.s32 $0x1100  }
0x3d: {  	[tilespmem:s4], [sflag:$0x1] =	stream.indirect_vreg.gather [hbm4b:s14+s12], $0x80, v5, vm0, $0xb8;
	[tilespmem:$0x11100] =	vst v63  }
0x3e: {  	s5 =	simm.s32 $0x1900  }
0x3f: {  	[tilespmem:s5], [sflag:$0x1] =	stream.indirect_vreg.gather [hbm4b:s15+s12], $0x80, v5, vm0, $0xb8;
	[tilespmem:$0x11100] =	vst v63  }
0x40: {  	s8 =	simm.s32 $0x2100  }
0x41: {  	[tilespmem:s8], [sflag:$0x1] =	stream.indirect_vreg.gather [hbm4b:s16+s12], $0x80, v5, vm0, $0xb8;
	[tilespmem:$0x11100] =	vst v63  }
0x42: {  	s21 =	simm.s32 $0x2900;
	v4 =	vperm.xlane v4, v3  }
0x43: {  	[tilespmem:s21], [sflag:$0x1] =	stream.indirect_vreg.gather [hbm4b:s17+s12], $0x80, v5, vm0, $0xb8;
	[tilespmem:$0x11100] =	vst v63  }
0x44: {  	s25 =	simm.s32 $0x3100;
	v4 =	vadd.s32 v2, v4  }
0x45: {  	[tilespmem:s25], [sflag:$0x1] =	stream.indirect_vreg.gather [hbm4b:s18+s12], $0x80, v5, vm0, $0xb8;
	[tilespmem:$0x11100] =	vst v63  }
0x46: {  	s28 =	simm.s32 $0x3900  }
0x47: {  	[tilespmem:s28], [sflag:$0x1] =	stream.indirect_vreg.gather [hbm4b:s19+s12], $0x80, v5, vm0, $0xb8;
	[tilespmem:$0x11100] =	vst v63  }
0x48: {  	s29 =	simm.s32 $0x4100  }
0x49: {  	[tilespmem:s29], [sflag:$0x1] =	stream.indirect_vreg.gather [hbm4b:s3+s12], $0x80, v4, vm0, $0xb8;
	[tilespmem:$0x11100] =	vst v63  }
0x4a: {  	s30 =	simm.s32 $0x4900  }
0x4b: {  	[tilespmem:s30], [sflag:$0x1] =	stream.indirect_vreg.gather [hbm4b:s13+s12], $0x80, v4, vm0, $0xb8;
	[tilespmem:$0x11100] =	vst v63  }
0x4c: {  	s31 =	simm.s32 $0x5100  }
0x4d: {  	[tilespmem:s31], [sflag:$0x1] =	stream.indirect_vreg.gather [hbm4b:s14+s12], $0x80, v4, vm0, $0xb8;
	[tilespmem:$0x11100] =	vst v63  }
0x4e: {  	_ = 	snop  }
0x4f: {  	[tilespmem:s20], [sflag:$0x1] =	stream.indirect_vreg.gather [hbm4b:s15+s12], $0x80, v4, vm0, $0xb8;
	[tilespmem:$0x11100] =	vst v63  }
0x50: {  	_ = 	snop  }
0x51: {  	[tilespmem:s6], [sflag:$0x1] =	stream.indirect_vreg.gather [hbm4b:s16+s12], $0x80, v4, vm0, $0xb8;
	[tilespmem:$0x11100] =	vst v63  }
0x52: {  	_ = 	snop  }
0x53: {  	[tilespmem:s24], [sflag:$0x1] =	stream.indirect_vreg.gather [hbm4b:s17+s12], $0x80, v4, vm0, $0xb8;
	[tilespmem:$0x11100] =	vst v63  }
0x54: {  	_ = 	snop  }
0x55: {  	[tilespmem:s9], [sflag:$0x1] =	stream.indirect_vreg.gather [hbm4b:s18+s12], $0x80, v4, vm0, $0xb8;
	[tilespmem:$0x11100] =	vst v63  }
0x56: {  	_ = 	snop  }
0x57: {  	[tilespmem:s10], [sflag:$0x1] =	stream.indirect_vreg.gather [hbm4b:s19+s12], $0x80, v4, vm0, $0xb8;
	[tilespmem:$0x11100] =	vst v63  }
0x58: {  	_ =	swait.ge [sflag:s11], $0x8000  }
0x59: {  	[sflag:s11] =	ssyncset.done $0x0  }
0x5a: {  	s25 =	simm.s32 $0x0;
	[sflag:s11] =	ssyncadd.s32 $0xFFFF8000  }
.LBB2_4:
0x5b: {  	v4 =	vld [tilespmem:$0x80];
	_ =	sdelay $0x4  }
0x5c: {  	v5 =	vmov s25;
	v4 =	vcvt.s32.f32 v4  }
0x5d: {  	vm1 =	veq.s32 v5, v0  }
0x5e: {  	s2 =	sshll.u32 s25, $0xB;
	v4 =	vnsel vm1, $0x0, v4  }
0x5f: {  	s8 =	sshll.u32 s25, $0x7;
	s31 =	simm.s32 $0x0;
	s28 =	sand.u32 $0x4000, s2;
	(xrf2) =	vadd.scan.msk.f32 $0xffff, v4  }
0x60: {  	s29 =	sand.u32 $0x380, s8;
	s21 =	sand.u32 $0x70, s31;
	s4 =	sand.u32 $0x3C00, s31  }
0x61: {  	s30 =	sor.u32 s29, s28;
	s2 =	sor.u32 s21, s4  }
0x62: {  	s2 =	sor.u32 s30, s2  }
0x63: {  	v4 =	vld [tilespmem:s2+$0x100];
	_ =	sdelay $0x1  }
0x64: {  	v6 =	vld [tilespmem:s2+$0x8100];
	_ =	sdelay $0x2  }
0x65: {  	v7 =	vmul.f32 $4.525483320e+01, v4  }
0x66: {  	v4 =	vimm.f32 $0.0e+00;
	v5, _, _ =	vpop (xrf2)  }
0x67: {  	s8 =	simm.s32 $0x20;
	s4 =	simm.s32 $0x10;
	v7 =	vadd.f32 v6, v7;
	v6 =	vimm.f32 $0.0e+00;
	v5 =	vbroadcast v5, $0xF  }
.LBB2_5:
0x68: {  	p0 =	sne.s32 s8, $0x7F0;
	s31 =	sadd.s32 $0x80, s31  }
0x69: {  	s5 =	sand.u32 $0x70, s4;
	s4 =	smov.u32 s8;
	s21 =	sand.u32 $0x3C00, s31;
	v7 =	vmul.f32 v7, v5  }
0x6a: {  	s5 =	sor.u32 s5, s21  }
0x6b: {  	[tilespmem:s2+$0x100] =	vst v7;
	s2 =	sor.u32 s30, s5;
	v4 =	vadd.f32 v7, v4;
	v7 =	vmul.f32 v7, v7  }
0x6c: {  	v8 =	vld [tilespmem:s2+$0x100]  }
0x6d: {  	v6 =	vadd.f32 v7, v6  }
0x6e: {  	v7 =	vld [tilespmem:s2+$0x8100]  }
.Ltmp0:
0x6f: {  	(pc) =	sbr.rel @p0 .LBB2_5-.Ltmp0, $3  }
0x70: {  	_ = 	snop  }
0x71: {  	v8 =	vmul.f32 $4.525483320e+01, v8;
	_ =	sdelay $0x1  }
0x72: {  	s8 =	sadd.s32 $0x10, s8;
	v7 =	vadd.f32 v7, v8  }
0x73: {  	s5 =	sadd.s32 $0x80, s31  }
0x74: {  	s4 =	sand.u32 $0x70, s4;
	s5 =	sand.u32 $0x3C00, s5;
	v7 =	vmul.f32 v7, v5  }
0x75: {  	s4 =	sor.u32 s4, s5  }
0x76: {  	s4 =	sor.u32 s30, s4;
	[tilespmem:s2+$0x100] =	vst v7  }
0x77: {  	v8 =	vld [tilespmem:s4+$0x100];
	_ =	sdelay $0x1  }
0x78: {  	v9 =	vld [tilespmem:s4+$0x8100];
	_ =	sdelay $0x2  }
0x79: {  	v8 =	vmul.f32 $4.525483320e+01, v8;
	_ =	sdelay $0x1  }
0x7a: {  	v8 =	vadd.f32 v9, v8;
	_ =	sdelay $0x1  }
0x7b: {  	v5 =	vmul.f32 v8, v5;
	v8 =	vmul.f32 v7, v7  }
0x7c: {  	v4 =	vadd.f32 v7, v4  }
0x7d: {  	v6 =	vadd.f32 v8, v6;
	v7 =	vmul.f32 v5, v5  }
0x7e: {  	v4 =	vadd.f32 v5, v4  }
0x7f: {  	v6 =	vadd.f32 v7, v6  }
0x80: {  	(xrf2) =	vadd.scan.msk.f32 $0xffff, v4  }
0x81: {  	(xrf2) =	vadd.scan.msk.f32 $0xffff, v6;
	_ =	sdelay $0x8  }
0x82: {  	v4, _, _ =	vpop (xrf2)  }
0x83: {  	(v2sf) =	vpush v4, $0xF;
	v4, _, _ =	vpop (xrf2)  }
0x84: {  	(v2sf) =	vpush v4, $0xF;
	_ =	sdelay $0xd  }
0x85: {  	s5 =	spop (v2sf)  }
0x86: {  	s2 =	smul.f32 $4.882812500e-04, s5;
	s8 =	spop (v2sf)  }
0x87: {  	s5 =	smul.f32 $4.882812500e-04, s8  }
0x88: {  	s8 =	smul.f32 s2, s2;
	_ =	sdelay $0x1  }
0x89: {  	s5 =	ssub.f32 s5, s8;
	_ =	sdelay $0x1  }
0x8a: {  	s5 =	sadd.f32 $9.999999740e-06, s5;
	_ =	sdelay $0x1  }
0x8b: {  	v4 =	vmov s5  }
0x8c: {  	v6 =	vshrl.u32 v4, $0x1;
	v4 =	vmul.f32 $5.000000000e-01, v4  }
0x8d: {  	v6 =	vsub.s32 $0x5F3759DF, v6  }
0x8e: {  	v7 =	vmul.f32 v6, v4;
	_ =	sdelay $0x1  }
0x8f: {  	v7 =	vmul.f32 v6, v7;
	_ =	sdelay $0x1  }
0x90: {  	v7 =	vsub.f32 $1.500000000e+00, v7;
	_ =	sdelay $0x1  }
0x91: {  	v6 =	vmul.f32 v6, v7;
	_ =	sdelay $0x1  }
0x92: {  	v7 =	vmul.f32 v6, v4;
	_ =	sdelay $0x1  }
0x93: {  	v7 =	vmul.f32 v7, v6;
	_ =	sdelay $0x1  }
0x94: {  	s5 =	simm.s32 $0x0;
	v7 =	vsub.f32 $1.500000000e+00, v7  }
0x95: {  	s8 =	sadd.s32 s29, s28;
	s21 =	sand.u32 $0xF000, s5  }
0x96: {  	s28 =	sadd.s32 $0x100, s8;
	s21 =	sshrl.u32 s21, $0x2;
	v6 =	vmul.f32 v7, v6  }
0x97: {  	s5 =	sand.u32 $0x70, s5;
	s8 =	sadd.s32 s21, s28  }
0x98: {  	[tilespmem:s4+$0x100] =	vst v5;
	s29 =	sadd.s32 s5, s8;
	v4 =	vmul.f32 v6, v4  }
0x99: {  	v7 =	vld [tilespmem:s29+$0x0]  }
0x9a: {  	v4 =	vmul.f32 v4, v6;
	_ =	sdelay $0x1  }
0x9b: {  	v4 =	vsub.f32 $1.500000000e+00, v4  }
0x9c: {  	s30 =	simm.s32 $0x10100;
	v5 =	vmov s2  }
0x9d: {  	v8 =	vld [tilespmem:s30+$0x0];
	v4 =	vmul.f32 v4, v6;
	v6 =	vsub.f32 v7, v5  }
0x9e: {  	s31 =	simm.s32 $0x10900  }
0x9f: {  	v7 =	vmul.f32 v6, v4;
	v6 =	vld [tilespmem:s31+$0x0];
	_ =	sdelay $0x2  }
0xa0: {  	s8 =	simm.s32 $0x200;
	v7 =	vmul.f32 v7, v8  }
0xa1: {  	s4 =	simm.s32 $0x20;
	s2 =	simm.s32 $0x10;
	s5 =	sand.u32 $0xF000, s8  }
.LBB2_7:
0xa2: {  	p0 =	sne.s32 s4, $0x7F0;
	s5 =	sshrl.u32 s5, $0x2;
	v6 =	vadd.f32 v7, v6  }
0xa3: {  	s21 =	sand.u32 $0x70, s2;
	s2 =	smov.u32 s4;
	s5 =	sadd.s32 s5, s28  }
0xa4: {  	[tilespmem:s29+$0x0] =	vst v6;
	s29 =	sadd.s32 s21, s5  }
0xa5: {  	v6 =	vld [tilespmem:s29+$0x0];
	_ =	sdelay $0x2  }
0xa6: {  	s30 =	sadd.s32 $0x10, s30  }
0xa7: {  	v7 =	vld [tilespmem:s30+$0x0]  }
0xa8: {  	s31 =	sadd.s32 $0x10, s31;
	v8 =	vsub.f32 v6, v5  }
.Ltmp1:
0xa9: {  	v6 =	vld [tilespmem:s31+$0x0];
	(pc) =	sbr.rel @p0 .LBB2_7-.Ltmp1, $3  }
0xaa: {  	v8 =	vmul.f32 v8, v4;
	_ =	sdelay $0x1  }
0xab: {  	s8 =	sadd.s32 $0x200, s8;
	v7 =	vmul.f32 v8, v7  }
0xac: {  	s4 =	sadd.s32 $0x10, s4;
	s5 =	sand.u32 $0xF000, s8  }
0xad: {  	s4 =	sshrl.u32 s5, $0x2;
	v6 =	vadd.f32 v7, v6  }
0xae: {  	s2 =	sand.u32 $0x70, s2;
	s4 =	sadd.s32 s4, s28  }
0xaf: {  	s2 =	sadd.s32 s2, s4;
	[tilespmem:s29+$0x0] =	vst v6  }
0xb0: {  	v6 =	vld [tilespmem:s2+$0x0];
	_ =	sdelay $0x2  }
0xb1: {  	s30 =	sadd.s32 $0x10, s30  }
0xb2: {  	v62 =	vld [tilespmem:s30+$0x0]  }
0xb3: {  	s31 =	sadd.s32 $0x10, s31;
	v5 =	vsub.f32 v6, v5  }
0xb4: {  	v63 =	vld [tilespmem:s31+$0x0]  }
0xb5: {  	s25 =	sadd.s32 $0x1, s25;
	v4 =	vmul.f32 v5, v4  }
0xb6: {  	p0 =	sne.s32 s25, $0x10  }
.Ltmp2:
0xb7: {  	v4 =	vmul.f32 v4, v62;
	(pc) =	sbr.rel @p0 .LBB2_4-.Ltmp2, $3  }
0xb8: {  	_ = 	snop  }
0xb9: {  	v4 =	vadd.f32 v4, v63;
	_ =	sdelay $0x1  }
0xba: {  	[tilespmem:s2+$0x0] =	vst v4  }
0xbb: {  	s2 =	sshll.u32 s7, $0x13;
	s7 =	sadd.s32 $0x1, s7  }
0xbc: {  	p0 =	sne.s32 s7, $0x4  }
.Ltmp3:
0xbd: {  	s2 =	sadd.s32 s2, s1;
	(pc) =	sbr.rel @p0 .LBB2_3-.Ltmp3, $4  }
0xbe: {  	[hbm4b:s2+s23] =	stream.linear.scatter [tilespmem:s26], [sflag:$0x2], $0x8000, $0x38;
	[tilespmem:$0x11100] =	vst v63  }
0xbf: {  	_ =	swait.ge [sflag:s22], $0x8000  }
0xc0: {  	[sflag:s22] =	ssyncset.done $0x0  }
0xc1: {  	[sflag:s22] =	ssyncadd.s32 $0xFFFF8000  }
0xc2: {  	s0 =	rddreg [dreg:$0xe]  }
0xc3: {  	s0 =	sadd.s32 $0x1, s0  }
0xc4: {  	p0 =	sne.s32 s0, $0x4  }
.Ltmp4:
0xc5: {  	_ = 	snop;
	(pc) =	sbr.rel @p0 .LBB2_2-.Ltmp4, $1  }
0xc6: {  	_ =	sdelay $0x3  }
0xc7: {  	s1 =	rddreg [dreg:$0xd]  }
0xc8: {  	s0 =	rddreg [dreg:$0xc];
	s1 =	sadd.s32 $0x1, s1  }
0xc9: {  	p0 =	sne.s32 s1, s0  }
.Ltmp5:
0xca: {  	_ = 	snop;
	(pc) =	sbr.rel @p0 .LBB2_1-.Ltmp5, $1  }
0xcb: {  	_ =	sdelay $0x3  }
0xcc: {  	_ =	sfence.sel $0x180000  }
0xcd: {  	[bflag:$0x0] =	sbarrier.arrive $0xFFFF  }
0xce: {  	_ =	strace $0x90000047  }
0xcf: {  	s0 =	stileid.u32;
	[bflag:$0x2] =	sbarrier.arrive $0xFFFF  }
0xd0: {  	p0 =	sne.s32 s0, $0x0;
	s0 =	rddreg [dreg:$0x7]  }
0xd1: {  	s0 =	sadd.s32 @!p0 $0x100000, s0  }
0xd2: {  	[sflag:s0] =	ssyncadd.tile.s32 @!p0 $0x1;
	_ =	shalt  }
.Lfunc_end2:
_tile_overlayer_lowered:
.L_overlay_start_2:
0xd3: {  	(tag) =	ssettag $0x2  }
0xd4: {  	s0 =	rddreg [dreg:$0x0];
	s2 =	stileid.u32  }
0xd5: {  	s1 =	rddreg [dreg:$0x1];
	p0 =	sne.s32 s2, $0x0  }
0xd6: {  	s3 =	rddreg [dreg:$0x2];
	[bflag:$0x3] =	sbarrier.arrive $0xFFFF;
	s2 =	simm.s32 @!p0 $0x1C02  }
0xd7: {  	[timem:s3], [sflag:s2] =	dma.local @!p0 [hbm:s0], s1  }
0xd8: {  	s0 =	simm.s32 @!p0 $0x2  }
0xd9: {  	_ =	swait.ge @!p0 [sflag:s0], s1  }
0xda: {  	s1 =	ssub.s32 @!p0 $0x0, s1;
	[sflag:s0] =	ssyncset.done @!p0 $0x0  }
0xdb: {  	[sflag:s0] =	ssyncadd.s32 @!p0 s1  }
0xdc: {  	[bflag:$0x3] =	sbarrier.arrive $0xFFFF  }
0xdd: {  	_ =	shalt  }

</sc_bundles>
